<compile_context>
chip_gen: v7x
topology: tpu7x:2x2x1
jax: 0.10.2.dev20260603
libtpu: 0.0.44.dev20260713+nightly
codegen_flags: <defaults>
</compile_context>

<pallas_src>
import functools

import jax
import jax.numpy as jnp
from jax import lax
from jax.experimental import pallas as pl
from jax.experimental.pallas import tpu as pltpu
from jax.experimental.pallas import tpu_sc as plsc

N = 10000
D = 128
E = 320000

NC = 2
NS = 16
NW = NC * NS

K = 128
CH = 80
CHH = 40
EPAD = NW * CH * K
RPT = 632
TPAD = NS * RPT

BLK = 1264
GRID = TPAD // BLK

@functools.lru_cache(maxsize=1)
def _mesh():
    return plsc.VectorSubcoreMesh(
        core_axis_name="c", subcore_axis_name="s", num_cores=NC, num_subcores=NS
    )


def _deg_body(ones_hbm, z_hbm, dst_hbm, cnt_hbm, dstb, onesb, cnt):
    cid = lax.axis_index("c")
    sid = lax.axis_index("s")
    wid = sid * NC + cid
    rsl = pl.ds(sid * RPT, RPT)

    @pl.when(cid == 0)
    def _():
        pltpu.sync_copy(ones_hbm.at[rsl], cnt.at[rsl])

    @pl.when(cid == 1)
    def _():
        pltpu.sync_copy(z_hbm.at[rsl], cnt.at[rsl])

    pltpu.sync_copy(ones_hbm.at[pl.ds(0, K)], onesb)
    plsc.subcore_barrier()

    for half in range(CH // CHH):
        pltpu.sync_copy(dst_hbm.at[wid, pl.ds(half * CHH, CHH)], dstb)

        @pl.loop(0, CHH)
        def _(j):
            pltpu.sync_copy(onesb, cnt.at[dstb.at[j]], add=True)

    plsc.subcore_barrier()
    pltpu.sync_copy(cnt.at[rsl], cnt_hbm.at[cid].at[rsl])


@jax.jit
def _sc_deg(ones128, zeros128, dst3):
    kern = pl.kernel(
        _deg_body,
        out_type=jax.ShapeDtypeStruct((NC, TPAD, D), jnp.float32),
        mesh=_mesh(),
        scratch_types=[
            pltpu.VMEM((CHH, K), jnp.int32),
            pltpu.VMEM((K, D), jnp.float32),
            pltpu.VMEM_SHARED((TPAD, D), jnp.float32),
        ],
    )
    return kern(ones128, zeros128, dst3)


def _layer_sc_body(g_hbm, z_hbm, src_hbm, dst_hbm, out_hbm,
                   srcb, dstb, rows0, rows1, sem0, sem1, acc):
    cid = lax.axis_index("c")
    sid = lax.axis_index("s")
    wid = sid * NC + cid
    rsl = pl.ds(sid * RPT, RPT)

    @pl.when(cid == 0)
    def _():
        pltpu.sync_copy(g_hbm.at[rsl], acc.at[rsl])

    @pl.when(cid == 1)
    def _():
        pltpu.sync_copy(z_hbm.at[rsl], acc.at[rsl])

    plsc.subcore_barrier()

    for half in range(CH // CHH):
        pltpu.sync_copy(src_hbm.at[wid, pl.ds(half * CHH, CHH)], srcb)
        pltpu.sync_copy(dst_hbm.at[wid, pl.ds(half * CHH, CHH)], dstb)
        pltpu.async_copy(g_hbm.at[srcb.at[0]], rows0, sem0)

        @pl.loop(0, CHH, step=2)
        def _(j):
            pltpu.make_async_copy(g_hbm.at[srcb.at[0]], rows0, sem0).wait()
            pltpu.async_copy(g_hbm.at[srcb.at[j + 1]], rows1, sem1)
            pltpu.sync_copy(rows0, acc.at[dstb.at[j]], add=True)
            pltpu.make_async_copy(g_hbm.at[srcb.at[0]], rows1, sem1).wait()

            @pl.when(j + 2 < CHH)
            def _():
                pltpu.async_copy(g_hbm.at[srcb.at[j + 2]], rows0, sem0)

            pltpu.sync_copy(rows1, acc.at[dstb.at[j + 1]], add=True)

    plsc.subcore_barrier()
    pltpu.sync_copy(acc.at[rsl], out_hbm.at[cid].at[rsl])


@jax.jit
def _sc_layer(g, zeros128, src3, dst3):
    kern = pl.kernel(
        _layer_sc_body,
        out_type=jax.ShapeDtypeStruct((NC, TPAD, D), jnp.float32),
        mesh=_mesh(),
        scratch_types=[
            pltpu.VMEM((CHH, K), jnp.int32),
            pltpu.VMEM((CHH, K), jnp.int32),
            pltpu.VMEM((K, D), jnp.float32),
            pltpu.VMEM((K, D), jnp.float32),
            pltpu.SemaphoreType.DMA,
            pltpu.SemaphoreType.DMA,
            pltpu.VMEM_SHARED((TPAD, D), jnp.float32),
        ],
    )
    return kern(g, zeros128, src3, dst3)


def _mm_body(x_ref, w_ref, b_ref, o_ref):
    o_ref[...] = (
        jnp.dot(x_ref[...], w_ref[...], preferred_element_type=jnp.float32)
        + b_ref[...]
    )


@jax.jit
def _tc_mm(x, w_enc, b_enc2):
    return pl.pallas_call(
        _mm_body,
        grid=(GRID,),
        in_specs=[
            pl.BlockSpec((BLK, D), lambda i: (i, 0)),
            pl.BlockSpec((D, D), lambda i: (0, 0)),
            pl.BlockSpec((1, D), lambda i: (0, 0)),
        ],
        out_specs=pl.BlockSpec((BLK, D), lambda i: (i, 0)),
        out_shape=jax.ShapeDtypeStruct((TPAD, D), jnp.float32),
    )(x, w_enc, b_enc2)


def _scale_body(x0_ref, c0_ref, c1_ref, g_ref, dinv_ref):
    i = pl.program_id(0)
    deg = c0_ref[0, :, 0:1] + c1_ref[0, :, 0:1]
    dinv = lax.rsqrt(deg)
    rows = jax.lax.broadcasted_iota(jnp.int32, (BLK, 1), 0) + i * BLK
    dinv = jnp.where(rows < N, dinv, 0.0)
    g_ref[...] = jnp.where(rows < N, x0_ref[...] * dinv, 0.0)
    dinv_ref[...] = jnp.broadcast_to(dinv, (BLK, 16))


@jax.jit
def _tc_scale(x0, cnt):
    return pl.pallas_call(
        _scale_body,
        grid=(GRID,),
        in_specs=[
            pl.BlockSpec((BLK, D), lambda i: (i, 0)),
            pl.BlockSpec((1, BLK, D), lambda i: (0, i, 0)),
            pl.BlockSpec((1, BLK, D), lambda i: (1, i, 0)),
        ],
        out_specs=[
            pl.BlockSpec((BLK, D), lambda i: (i, 0)),
            pl.BlockSpec((BLK, 16), lambda i: (i, 0)),
        ],
        out_shape=[
            jax.ShapeDtypeStruct((TPAD, D), jnp.float32),
            jax.ShapeDtypeStruct((TPAD, 16), jnp.float32),
        ],
    )(x0, cnt, cnt)


def _mid_body(p0_ref, p1_ref, dinv_ref, w_ref, gout_ref):
    dinv = dinv_ref[:, 0:1]
    a = (p0_ref[0] + p1_ref[0]) * dinv
    t = jnp.dot(a, w_ref[...], preferred_element_type=jnp.float32)
    gout_ref[...] = jnp.maximum(t, 0.0) * dinv


@jax.jit
def _tc_mid(part, dinv, w):
    return pl.pallas_call(
        _mid_body,
        grid=(GRID,),
        in_specs=[
            pl.BlockSpec((1, BLK, D), lambda i: (0, i, 0)),
            pl.BlockSpec((1, BLK, D), lambda i: (1, i, 0)),
            pl.BlockSpec((BLK, 16), lambda i: (i, 0)),
            pl.BlockSpec((D, D), lambda i: (0, 0)),
        ],
        out_specs=pl.BlockSpec((BLK, D), lambda i: (i, 0)),
        out_shape=jax.ShapeDtypeStruct((TPAD, D), jnp.float32),
    )(part, part, dinv, w)


def _final_body(p0_ref, p1_ref, dinv_ref, w_ref, wd_ref, bd_ref, out_ref):
    dinv = dinv_ref[:, 0:1]
    a = (p0_ref[0] + p1_ref[0]) * dinv
    h = jnp.maximum(
        jnp.dot(a, w_ref[...], preferred_element_type=jnp.float32), 0.0
    )
    out_ref[...] = (
        jnp.dot(h, wd_ref[...], preferred_element_type=jnp.float32)
        + bd_ref[...]
    )


@jax.jit
def _tc_final(part, dinv, w3, w_dec, b_dec2):
    return pl.pallas_call(
        _final_body,
        grid=(GRID,),
        in_specs=[
            pl.BlockSpec((1, BLK, D), lambda i: (0, i, 0)),
            pl.BlockSpec((1, BLK, D), lambda i: (1, i, 0)),
            pl.BlockSpec((BLK, 16), lambda i: (i, 0)),
            pl.BlockSpec((D, D), lambda i: (0, 0)),
            pl.BlockSpec((D, 1), lambda i: (0, 0)),
            pl.BlockSpec((1, 1), lambda i: (0, 0)),
        ],
        out_specs=pl.BlockSpec((BLK, 1), lambda i: (i, 0)),
        out_shape=jax.ShapeDtypeStruct((N, 1), jnp.float32),
    )(part, part, dinv, w3, w_dec, b_dec2)


def kernel(x, edge_index, W_enc, b_enc, W1, W2, W3, W_dec, b_dec):
    ei = edge_index.astype(jnp.int32)
    epw = E // NW
    pad = CH * K - epw
    psrc = jnp.broadcast_to((jnp.arange(pad) * 37) % N, (NW, pad))
    pdst = jnp.broadcast_to(N + jnp.arange(pad) % (TPAD - N), (NW, pad))
    src3 = jnp.concatenate(
        [ei[0].reshape(NW, epw), psrc.astype(jnp.int32)], axis=1
    ).reshape(NW, CH, K)
    dst3 = jnp.concatenate(
        [ei[1].reshape(NW, epw), pdst.astype(jnp.int32)], axis=1
    ).reshape(NW, CH, K)

    ones128 = jnp.ones((TPAD, D), jnp.float32)
    zeros128 = jnp.zeros((TPAD, D), jnp.float32)

    degp = _sc_deg(ones128, zeros128, dst3)
    x0 = _tc_mm(x, W_enc, b_enc.reshape(1, D))
    g, dinv = _tc_scale(x0, degp)
    for w in (W1, W2):
        part = _sc_layer(g, zeros128, src3, dst3)
        g = _tc_mid(part, dinv, w)
    part = _sc_layer(g, zeros128, src3, dst3)
    return _tc_final(part, dinv, W3, W_dec, b_dec.reshape(1, 1))

# --- scband reference (transcript-rebuilt; emitter-appended) ---
"""Pipeline reference for scband-base-model-79362405695755 (READ-ONLY COPY).

The authoritative reference and input builder live on the scoring server;
editing this copy changes nothing except your own understanding.
"""

import jax, jax.numpy as jnp
import numpy as np

N = 10000
D_IN = 128
D_HID = 128
NUM_HIDDEN = 3
E = 320000


def _glorot(key, shape):
    fan_in, fan_out = shape[0], shape[1]
    scale = jnp.sqrt(2.0 / (fan_in + fan_out))
    return jax.random.normal(key, shape, dtype=jnp.float32) * scale


def setup_inputs(seed: int = 0) -> dict:
    key = jax.random.key(seed)
    ks = jax.random.split(key, 8)
    x = jax.random.normal(ks[0], (N, D_IN), dtype=jnp.float32)
    edge_index = jax.random.randint(ks[1], (2, E), 0, N, dtype=jnp.int64)
    W_enc = _glorot(ks[2], (D_IN, D_HID))
    b_enc = jnp.zeros((D_HID,), dtype=jnp.float32)
    W1 = _glorot(ks[3], (D_HID, D_HID))
    W2 = _glorot(ks[4], (D_HID, D_HID))
    W3 = _glorot(ks[5], (D_HID, D_HID))
    W_dec = _glorot(ks[6], (D_HID, 1))
    b_dec = jnp.zeros((1,), dtype=jnp.float32)
    return {"x": x, "edge_index": edge_index, "W_enc": W_enc, "b_enc": b_enc,
            "W1": W1, "W2": W2, "W3": W3, "W_dec": W_dec, "b_dec": b_dec}


def reference(x, edge_index, W_enc, b_enc, W1, W2, W3, W_dec, b_dec):
    n = x.shape[0]
    # add_self_loops (edge_weights=None -> just append self-loop edges)
    sl = jnp.arange(n, dtype=edge_index.dtype)
    ei = jnp.concatenate([edge_index, jnp.stack([sl, sl])], axis=1)
    src, dst = ei[0], ei[1]
    # symmetric GCN normalization
    deg = jax.ops.segment_sum(jnp.ones(ei.shape[1], dtype=x.dtype), dst, num_segments=n)
    dinv = jax.lax.rsqrt(jnp.maximum(deg, 1.0))
    norm = dinv[src] * dinv[dst]
    # encoder
    x0 = x @ W_enc + b_enc
    h = x0
    # hidden GNN layers: apply_layer = relu(GCN propagation(h) @ W)
    for W in (W1, W2, W3):
        msg = h[src] * norm[:, None]          # gather per edge
        agg = jax.ops.segment_sum(msg, dst, num_segments=n)  # scatter-add
        h = jax.nn.relu(agg @ W)
    # decoder
    out = h @ W_dec + b_dec
    return out

if __name__ == "__main__":
    import jax
    _d = setup_inputs()
    print(jax.jit(kernel)(*tuple(_d.values())))

</pallas_src>

<mosaic_0001>
#map = affine_map<(d0, d1) -> (0, 0)>
#map1 = affine_map<(d0, d1) -> (0, 0, 0)>
module attributes {stable_mosaic.version = 14 : i64} {
  func.func @_deg_body(%arg0: i32, %arg1: i32, %arg2: memref<10112x128xf32, #tpu.memory_space<hbm>>, %arg3: memref<10112x128xf32, #tpu.memory_space<hbm>>, %arg4: memref<32x80x128xi32, #tpu.memory_space<hbm>>, %arg5: memref<2x10112x128xf32, #tpu.memory_space<hbm>>, %arg6: memref<40x128xi32, #tpu.memory_space<vmem>>, %arg7: memref<128x128xf32, #tpu.memory_space<vmem>>, %arg8: memref<10112x128xf32, #tpu.memory_space<vmem_shared>>) attributes {dimension_semantics = [#tpu.dimension_semantics<core_parallel>, #tpu.dimension_semantics<subcore_parallel>], iteration_bounds = array<i64: 2, 16>, scalar_prefetch = 0 : i64, scratch_operands = 3 : i64, tpu.core_type = #tpu.core_type<sc_vector_subcore>, window_params = [{transform_indices = #map}, {transform_indices = #map}, {transform_indices = #map1}, {transform_indices = #map1}]} {
    %mul3A = arith.constant 2 : i32
    %mul3A_0 = arith.muli %arg1, %mul3A : i32
    %add3A = arith.addi %mul3A_0, %arg0 : i32
    %mul3A_1 = arith.constant 632 : i32
    %mul3A_2 = arith.muli %arg1, %mul3A_1 : i32
    %eq3A = arith.constant 0 : i32
    %eq3A_3 = arith.cmpi eq, %arg0, %eq3A : i32
    %convert_element_type3A = arith.extui %eq3A_3 : i1 to i32
    %cond3A = arith.constant 0 : i32
    %cond3A_4 = arith.cmpi ne, %convert_element_type3A, %cond3A : i32
    scf.if %cond3A_4 {
      "tpu.region"() ({
        %run_scoped3A = tpu.sem_alloc : memref<!tpu.dma_semaphore, #tpu.memory_space<semaphore_mem>>
        %dma_start3A = arith.constant 0 : i32
        %dma_start3A_20 = tpu.memref_slice %arg8[%mul3A_2, %dma_start3A] : memref<10112x128xf32, #tpu.memory_space<vmem_shared>> -> memref<632x128xf32, #tpu.memory_space<vmem_shared>>
        %dma_start3A_21 = arith.constant 0 : i32
        %dma_start3A_22 = tpu.memref_slice %arg2[%mul3A_2, %dma_start3A_21] : memref<10112x128xf32, #tpu.memory_space<hbm>> -> memref<632x128xf32, #tpu.memory_space<hbm>>
        tpu.enqueue_dma source(%dma_start3A_22 : memref<632x128xf32, #tpu.memory_space<hbm>>) target(%dma_start3A_20 : memref<632x128xf32, #tpu.memory_space<vmem_shared>>) target_semaphore(%run_scoped3A : memref<!tpu.dma_semaphore, #tpu.memory_space<semaphore_mem>>)
        %dma_wait3A = arith.constant 0 : i32
        %dma_wait3A_23 = tpu.memref_slice %arg8[%mul3A_2, %dma_wait3A] : memref<10112x128xf32, #tpu.memory_space<vmem_shared>> -> memref<632x128xf32, #tpu.memory_space<vmem_shared>>
        %dma_wait3A_24 = arith.constant 0 : i32
        %dma_wait3A_25 = tpu.memref_slice %arg2[%mul3A_2, %dma_wait3A_24] : memref<10112x128xf32, #tpu.memory_space<hbm>> -> memref<632x128xf32, #tpu.memory_space<hbm>>
        tpu.wait_dma2 semaphore(%run_scoped3A : memref<!tpu.dma_semaphore, #tpu.memory_space<semaphore_mem>>) src(%dma_wait3A_25 : memref<632x128xf32, #tpu.memory_space<hbm>>) dst(%dma_wait3A_23 : memref<632x128xf32, #tpu.memory_space<vmem_shared>>)
        tpu.yield
      }) : () -> ()
    } else {
    }
    %eq3A_5 = arith.constant 1 : i32
    %eq3A_6 = arith.cmpi eq, %arg0, %eq3A_5 : i32
    %convert_element_type3A_7 = arith.extui %eq3A_6 : i1 to i32
    %cond3A_8 = arith.constant 0 : i32
    %cond3A_9 = arith.cmpi ne, %convert_element_type3A_7, %cond3A_8 : i32
    scf.if %cond3A_9 {
      "tpu.region"() ({
        %run_scoped3A = tpu.sem_alloc : memref<!tpu.dma_semaphore, #tpu.memory_space<semaphore_mem>>
        %dma_start3A = arith.constant 0 : i32
        %dma_start3A_20 = tpu.memref_slice %arg8[%mul3A_2, %dma_start3A] : memref<10112x128xf32, #tpu.memory_space<vmem_shared>> -> memref<632x128xf32, #tpu.memory_space<vmem_shared>>
        %dma_start3A_21 = arith.constant 0 : i32
        %dma_start3A_22 = tpu.memref_slice %arg3[%mul3A_2, %dma_start3A_21] : memref<10112x128xf32, #tpu.memory_space<hbm>> -> memref<632x128xf32, #tpu.memory_space<hbm>>
        tpu.enqueue_dma source(%dma_start3A_22 : memref<632x128xf32, #tpu.memory_space<hbm>>) target(%dma_start3A_20 : memref<632x128xf32, #tpu.memory_space<vmem_shared>>) target_semaphore(%run_scoped3A : memref<!tpu.dma_semaphore, #tpu.memory_space<semaphore_mem>>)
        %dma_wait3A = arith.constant 0 : i32
        %dma_wait3A_23 = tpu.memref_slice %arg8[%mul3A_2, %dma_wait3A] : memref<10112x128xf32, #tpu.memory_space<vmem_shared>> -> memref<632x128xf32, #tpu.memory_space<vmem_shared>>
        %dma_wait3A_24 = arith.constant 0 : i32
        %dma_wait3A_25 = tpu.memref_slice %arg3[%mul3A_2, %dma_wait3A_24] : memref<10112x128xf32, #tpu.memory_space<hbm>> -> memref<632x128xf32, #tpu.memory_space<hbm>>
        tpu.wait_dma2 semaphore(%run_scoped3A : memref<!tpu.dma_semaphore, #tpu.memory_space<semaphore_mem>>) src(%dma_wait3A_25 : memref<632x128xf32, #tpu.memory_space<hbm>>) dst(%dma_wait3A_23 : memref<632x128xf32, #tpu.memory_space<vmem_shared>>)
        tpu.yield
      }) : () -> ()
    } else {
    }
    "tpu.region"() ({
      %run_scoped3A = tpu.sem_alloc : memref<!tpu.dma_semaphore, #tpu.memory_space<semaphore_mem>>
      %dma_start3A = arith.constant 0 : i32
      %dma_start3A_20 = arith.constant 0 : i32
      %dma_start3A_21 = tpu.memref_slice %arg2[%dma_start3A, %dma_start3A_20] : memref<10112x128xf32, #tpu.memory_space<hbm>> -> memref<128x128xf32, #tpu.memory_space<hbm>>
      %dma_start3A_22 = arith.constant 0 : i32
      %dma_start3A_23 = arith.constant 0 : i32
      %dma_start3A_24 = tpu.memref_slice %arg2[%dma_start3A_22, %dma_start3A_23] : memref<10112x128xf32, #tpu.memory_space<hbm>> -> memref<128x128xf32, #tpu.memory_space<hbm>>
      tpu.enqueue_dma source(%dma_start3A_24 : memref<128x128xf32, #tpu.memory_space<hbm>>) target(%arg7 : memref<128x128xf32, #tpu.memory_space<vmem>>) target_semaphore(%run_scoped3A : memref<!tpu.dma_semaphore, #tpu.memory_space<semaphore_mem>>)
      %dma_wait3A = arith.constant 0 : i32
      %dma_wait3A_25 = arith.constant 0 : i32
      %dma_wait3A_26 = tpu.memref_slice %arg2[%dma_wait3A, %dma_wait3A_25] : memref<10112x128xf32, #tpu.memory_space<hbm>> -> memref<128x128xf32, #tpu.memory_space<hbm>>
      %dma_wait3A_27 = arith.constant 0 : i32
      %dma_wait3A_28 = arith.constant 0 : i32
      %dma_wait3A_29 = tpu.memref_slice %arg2[%dma_wait3A_27, %dma_wait3A_28] : memref<10112x128xf32, #tpu.memory_space<hbm>> -> memref<128x128xf32, #tpu.memory_space<hbm>>
      tpu.wait_dma2 semaphore(%run_scoped3A : memref<!tpu.dma_semaphore, #tpu.memory_space<semaphore_mem>>) src(%dma_wait3A_29 : memref<128x128xf32, #tpu.memory_space<hbm>>) dst(%arg7 : memref<128x128xf32, #tpu.memory_space<vmem>>)
      tpu.yield
    }) : () -> ()
    %barrier3A = arith.constant 0 : index
    tpu.barrier barrier_id(%barrier3A)
    "tpu.region"() ({
      %run_scoped3A = tpu.sem_alloc : memref<!tpu.dma_semaphore, #tpu.memory_space<semaphore_mem>>
      %dma_start3A = arith.constant 0 : i32
      %dma_start3A_20 = arith.constant 0 : i32
      %dma_start3A_21 = tpu.memref_slice %arg4[%add3A, %dma_start3A, %dma_start3A_20] : memref<32x80x128xi32, #tpu.memory_space<hbm>> -> memref<1x40x128xi32, #tpu.memory_space<hbm>>
      %dma_start3A_22 = tpu.memref_squeeze %dma_start3A_21 : memref<1x40x128xi32, #tpu.memory_space<hbm>> -> memref<40x128xi32, #tpu.memory_space<hbm>>
      %dma_start3A_23 = arith.constant 0 : i32
      %dma_start3A_24 = arith.constant 0 : i32
      %dma_start3A_25 = tpu.memref_slice %arg4[%add3A, %dma_start3A_23, %dma_start3A_24] : memref<32x80x128xi32, #tpu.memory_space<hbm>> -> memref<1x40x128xi32, #tpu.memory_space<hbm>>
      %dma_start3A_26 = tpu.memref_squeeze %dma_start3A_25 : memref<1x40x128xi32, #tpu.memory_space<hbm>> -> memref<40x128xi32, #tpu.memory_space<hbm>>
      tpu.enqueue_dma source(%dma_start3A_26 : memref<40x128xi32, #tpu.memory_space<hbm>>) target(%arg6 : memref<40x128xi32, #tpu.memory_space<vmem>>) target_semaphore(%run_scoped3A : memref<!tpu.dma_semaphore, #tpu.memory_space<semaphore_mem>>)
      %dma_wait3A = arith.constant 0 : i32
      %dma_wait3A_27 = arith.constant 0 : i32
      %dma_wait3A_28 = tpu.memref_slice %arg4[%add3A, %dma_wait3A, %dma_wait3A_27] : memref<32x80x128xi32, #tpu.memory_space<hbm>> -> memref<1x40x128xi32, #tpu.memory_space<hbm>>
      %dma_wait3A_29 = tpu.memref_squeeze %dma_wait3A_28 : memref<1x40x128xi32, #tpu.memory_space<hbm>> -> memref<40x128xi32, #tpu.memory_space<hbm>>
      %dma_wait3A_30 = arith.constant 0 : i32
      %dma_wait3A_31 = arith.constant 0 : i32
      %dma_wait3A_32 = tpu.memref_slice %arg4[%add3A, %dma_wait3A_30, %dma_wait3A_31] : memref<32x80x128xi32, #tpu.memory_space<hbm>> -> memref<1x40x128xi32, #tpu.memory_space<hbm>>
      %dma_wait3A_33 = tpu.memref_squeeze %dma_wait3A_32 : memref<1x40x128xi32, #tpu.memory_space<hbm>> -> memref<40x128xi32, #tpu.memory_space<hbm>>
      tpu.wait_dma2 semaphore(%run_scoped3A : memref<!tpu.dma_semaphore, #tpu.memory_space<semaphore_mem>>) src(%dma_wait3A_33 : memref<40x128xi32, #tpu.memory_space<hbm>>) dst(%arg6 : memref<40x128xi32, #tpu.memory_space<vmem>>)
      tpu.yield
    }) : () -> ()
    %scan3A = arith.constant 0 : i32
    %scan3A_10 = arith.constant 40 : i32
    %scan3A_11 = arith.addi %scan3A, %scan3A_10 : i32
    %scan3A_12 = arith.constant 1 : i32
    scf.for %scan3A_20 = %scan3A to %scan3A_11 step %scan3A_12  : i32 {
      %mul3A_21 = arith.constant 1 : i32
      %mul3A_22 = arith.muli %scan3A_20, %mul3A_21 : i32
      %add3A_23 = arith.constant 0 : i32
      %add3A_24 = arith.addi %add3A_23, %mul3A_22 : i32
      "tpu.region"() ({
        %run_scoped3A = tpu.sem_alloc : memref<!tpu.dma_semaphore, #tpu.memory_space<semaphore_mem>>
        %dma_start3A = arith.constant 0 : i32
        %dma_start3A_25 = tpu.memref_slice %arg6[%add3A_24, %dma_start3A] : memref<40x128xi32, #tpu.memory_space<vmem>> -> memref<1x128xi32, #tpu.memory_space<vmem>>
        %dma_start3A_26 = tpu.memref_squeeze %dma_start3A_25 : memref<1x128xi32, #tpu.memory_space<vmem>> -> memref<128xi32, #tpu.memory_space<vmem>>
        %dma_start3A_27 = arith.constant 0 : i32
        %dma_start3A_28 = arith.constant 0 : i32
        %dma_start3A_29 = tpu.memref_slice %arg8[%dma_start3A_27, %dma_start3A_28] : memref<10112x128xf32, #tpu.memory_space<vmem_shared>> -> memref<10112x128xf32, #tpu.memory_space<vmem_shared>>
        tpu.enqueue_indirect_dma source(%arg7 : memref<128x128xf32, #tpu.memory_space<vmem>>) target(%dma_start3A_29 : memref<10112x128xf32, #tpu.memory_space<vmem_shared>>) offsets(%dma_start3A_26 : memref<128xi32, #tpu.memory_space<vmem>>) semaphore(%run_scoped3A : memref<!tpu.dma_semaphore, #tpu.memory_space<semaphore_mem>>) {add = true}
        %dma_wait3A = arith.constant 0 : i32
        %dma_wait3A_30 = tpu.memref_slice %arg6[%add3A_24, %dma_wait3A] : memref<40x128xi32, #tpu.memory_space<vmem>> -> memref<1x128xi32, #tpu.memory_space<vmem>>
        %dma_wait3A_31 = tpu.memref_squeeze %dma_wait3A_30 : memref<1x128xi32, #tpu.memory_space<vmem>> -> memref<128xi32, #tpu.memory_space<vmem>>
        %dma_wait3A_32 = arith.constant 0 : i32
        %dma_wait3A_33 = arith.constant 0 : i32
        %dma_wait3A_34 = tpu.memref_slice %arg8[%dma_wait3A_32, %dma_wait3A_33] : memref<10112x128xf32, #tpu.memory_space<vmem_shared>> -> memref<10112x128xf32, #tpu.memory_space<vmem_shared>>
        tpu.wait_indirect_dma semaphore(%run_scoped3A : memref<!tpu.dma_semaphore, #tpu.memory_space<semaphore_mem>>) src(%arg7 : memref<128x128xf32, #tpu.memory_space<vmem>>) dst(%dma_wait3A_34 : memref<10112x128xf32, #tpu.memory_space<vmem_shared>>)
        tpu.yield
      }) : () -> ()
    }
    %scan3A_13 = arith.constant 40 : i32
    "tpu.region"() ({
      %run_scoped3A = tpu.sem_alloc : memref<!tpu.dma_semaphore, #tpu.memory_space<semaphore_mem>>
      %dma_start3A = arith.constant 40 : i32
      %dma_start3A_20 = arith.constant 0 : i32
      %dma_start3A_21 = tpu.memref_slice %arg4[%add3A, %dma_start3A, %dma_start3A_20] : memref<32x80x128xi32, #tpu.memory_space<hbm>> -> memref<1x40x128xi32, #tpu.memory_space<hbm>>
      %dma_start3A_22 = tpu.memref_squeeze %dma_start3A_21 : memref<1x40x128xi32, #tpu.memory_space<hbm>> -> memref<40x128xi32, #tpu.memory_space<hbm>>
      %dma_start3A_23 = arith.constant 40 : i32
      %dma_start3A_24 = arith.constant 0 : i32
      %dma_start3A_25 = tpu.memref_slice %arg4[%add3A, %dma_start3A_23, %dma_start3A_24] : memref<32x80x128xi32, #tpu.memory_space<hbm>> -> memref<1x40x128xi32, #tpu.memory_space<hbm>>
      %dma_start3A_26 = tpu.memref_squeeze %dma_start3A_25 : memref<1x40x128xi32, #tpu.memory_space<hbm>> -> memref<40x128xi32, #tpu.memory_space<hbm>>
      tpu.enqueue_dma source(%dma_start3A_26 : memref<40x128xi32, #tpu.memory_space<hbm>>) target(%arg6 : memref<40x128xi32, #tpu.memory_space<vmem>>) target_semaphore(%run_scoped3A : memref<!tpu.dma_semaphore, #tpu.memory_space<semaphore_mem>>)
      %dma_wait3A = arith.constant 40 : i32
      %dma_wait3A_27 = arith.constant 0 : i32
      %dma_wait3A_28 = tpu.memref_slice %arg4[%add3A, %dma_wait3A, %dma_wait3A_27] : memref<32x80x128xi32, #tpu.memory_space<hbm>> -> memref<1x40x128xi32, #tpu.memory_space<hbm>>
      %dma_wait3A_29 = tpu.memref_squeeze %dma_wait3A_28 : memref<1x40x128xi32, #tpu.memory_space<hbm>> -> memref<40x128xi32, #tpu.memory_space<hbm>>
      %dma_wait3A_30 = arith.constant 40 : i32
      %dma_wait3A_31 = arith.constant 0 : i32
      %dma_wait3A_32 = tpu.memref_slice %arg4[%add3A, %dma_wait3A_30, %dma_wait3A_31] : memref<32x80x128xi32, #tpu.memory_space<hbm>> -> memref<1x40x128xi32, #tpu.memory_space<hbm>>
      %dma_wait3A_33 = tpu.memref_squeeze %dma_wait3A_32 : memref<1x40x128xi32, #tpu.memory_space<hbm>> -> memref<40x128xi32, #tpu.memory_space<hbm>>
      tpu.wait_dma2 semaphore(%run_scoped3A : memref<!tpu.dma_semaphore, #tpu.memory_space<semaphore_mem>>) src(%dma_wait3A_33 : memref<40x128xi32, #tpu.memory_space<hbm>>) dst(%arg6 : memref<40x128xi32, #tpu.memory_space<vmem>>)
      tpu.yield
    }) : () -> ()
    %scan3A_14 = arith.constant 0 : i32
    %scan3A_15 = arith.constant 40 : i32
    %scan3A_16 = arith.addi %scan3A_14, %scan3A_15 : i32
    %scan3A_17 = arith.constant 1 : i32
    scf.for %scan3A_20 = %scan3A_14 to %scan3A_16 step %scan3A_17  : i32 {
      %mul3A_21 = arith.constant 1 : i32
      %mul3A_22 = arith.muli %scan3A_20, %mul3A_21 : i32
      %add3A_23 = arith.constant 0 : i32
      %add3A_24 = arith.addi %add3A_23, %mul3A_22 : i32
      "tpu.region"() ({
        %run_scoped3A = tpu.sem_alloc : memref<!tpu.dma_semaphore, #tpu.memory_space<semaphore_mem>>
        %dma_start3A = arith.constant 0 : i32
        %dma_start3A_25 = tpu.memref_slice %arg6[%add3A_24, %dma_start3A] : memref<40x128xi32, #tpu.memory_space<vmem>> -> memref<1x128xi32, #tpu.memory_space<vmem>>
        %dma_start3A_26 = tpu.memref_squeeze %dma_start3A_25 : memref<1x128xi32, #tpu.memory_space<vmem>> -> memref<128xi32, #tpu.memory_space<vmem>>
        %dma_start3A_27 = arith.constant 0 : i32
        %dma_start3A_28 = arith.constant 0 : i32
        %dma_start3A_29 = tpu.memref_slice %arg8[%dma_start3A_27, %dma_start3A_28] : memref<10112x128xf32, #tpu.memory_space<vmem_shared>> -> memref<10112x128xf32, #tpu.memory_space<vmem_shared>>
        tpu.enqueue_indirect_dma source(%arg7 : memref<128x128xf32, #tpu.memory_space<vmem>>) target(%dma_start3A_29 : memref<10112x128xf32, #tpu.memory_space<vmem_shared>>) offsets(%dma_start3A_26 : memref<128xi32, #tpu.memory_space<vmem>>) semaphore(%run_scoped3A : memref<!tpu.dma_semaphore, #tpu.memory_space<semaphore_mem>>) {add = true}
        %dma_wait3A = arith.constant 0 : i32
        %dma_wait3A_30 = tpu.memref_slice %arg6[%add3A_24, %dma_wait3A] : memref<40x128xi32, #tpu.memory_space<vmem>> -> memref<1x128xi32, #tpu.memory_space<vmem>>
        %dma_wait3A_31 = tpu.memref_squeeze %dma_wait3A_30 : memref<1x128xi32, #tpu.memory_space<vmem>> -> memref<128xi32, #tpu.memory_space<vmem>>
        %dma_wait3A_32 = arith.constant 0 : i32
        %dma_wait3A_33 = arith.constant 0 : i32
        %dma_wait3A_34 = tpu.memref_slice %arg8[%dma_wait3A_32, %dma_wait3A_33] : memref<10112x128xf32, #tpu.memory_space<vmem_shared>> -> memref<10112x128xf32, #tpu.memory_space<vmem_shared>>
        tpu.wait_indirect_dma semaphore(%run_scoped3A : memref<!tpu.dma_semaphore, #tpu.memory_space<semaphore_mem>>) src(%arg7 : memref<128x128xf32, #tpu.memory_space<vmem>>) dst(%dma_wait3A_34 : memref<10112x128xf32, #tpu.memory_space<vmem_shared>>)
        tpu.yield
      }) : () -> ()
    }
    %scan3A_18 = arith.constant 40 : i32
    %barrier3A_19 = arith.constant 0 : index
    tpu.barrier barrier_id(%barrier3A_19)
    "tpu.region"() ({
      %run_scoped3A = tpu.sem_alloc : memref<!tpu.dma_semaphore, #tpu.memory_space<semaphore_mem>>
      %dma_start3A = arith.constant 0 : i32
      %dma_start3A_20 = arith.constant 0 : i32
      %dma_start3A_21 = tpu.memref_slice %arg5[%arg0, %dma_start3A, %dma_start3A_20] : memref<2x10112x128xf32, #tpu.memory_space<hbm>> -> memref<1x10112x128xf32, #tpu.memory_space<hbm>>
      %dma_start3A_22 = tpu.memref_squeeze %dma_start3A_21 : memref<1x10112x128xf32, #tpu.memory_space<hbm>> -> memref<10112x128xf32, #tpu.memory_space<hbm>>
      %dma_start3A_23 = arith.constant 0 : i32
      %dma_start3A_24 = tpu.memref_slice %dma_start3A_22[%mul3A_2, %dma_start3A_23] : memref<10112x128xf32, #tpu.memory_space<hbm>> -> memref<632x128xf32, #tpu.memory_space<hbm>>
      %dma_start3A_25 = arith.constant 0 : i32
      %dma_start3A_26 = tpu.memref_slice %arg8[%mul3A_2, %dma_start3A_25] : memref<10112x128xf32, #tpu.memory_space<vmem_shared>> -> memref<632x128xf32, #tpu.memory_space<vmem_shared>>
      tpu.enqueue_dma source(%dma_start3A_26 : memref<632x128xf32, #tpu.memory_space<vmem_shared>>) target(%dma_start3A_24 : memref<632x128xf32, #tpu.memory_space<hbm>>) target_semaphore(%run_scoped3A : memref<!tpu.dma_semaphore, #tpu.memory_space<semaphore_mem>>)
      %dma_wait3A = arith.constant 0 : i32
      %dma_wait3A_27 = arith.constant 0 : i32
      %dma_wait3A_28 = tpu.memref_slice %arg5[%arg0, %dma_wait3A, %dma_wait3A_27] : memref<2x10112x128xf32, #tpu.memory_space<hbm>> -> memref<1x10112x128xf32, #tpu.memory_space<hbm>>
      %dma_wait3A_29 = tpu.memref_squeeze %dma_wait3A_28 : memref<1x10112x128xf32, #tpu.memory_space<hbm>> -> memref<10112x128xf32, #tpu.memory_space<hbm>>
      %dma_wait3A_30 = arith.constant 0 : i32
      %dma_wait3A_31 = tpu.memref_slice %dma_wait3A_29[%mul3A_2, %dma_wait3A_30] : memref<10112x128xf32, #tpu.memory_space<hbm>> -> memref<632x128xf32, #tpu.memory_space<hbm>>
      %dma_wait3A_32 = arith.constant 0 : i32
      %dma_wait3A_33 = tpu.memref_slice %arg8[%mul3A_2, %dma_wait3A_32] : memref<10112x128xf32, #tpu.memory_space<vmem_shared>> -> memref<632x128xf32, #tpu.memory_space<vmem_shared>>
      tpu.wait_dma2 semaphore(%run_scoped3A : memref<!tpu.dma_semaphore, #tpu.memory_space<semaphore_mem>>) src(%dma_wait3A_33 : memref<632x128xf32, #tpu.memory_space<vmem_shared>>) dst(%dma_wait3A_31 : memref<632x128xf32, #tpu.memory_space<hbm>>)
      tpu.yield
    }) : () -> ()
    return
  }
}

</mosaic_0001>

<sc_bundles>
// kernel: _sc_deg.3.cloned.1.call-start
scs
__scs_entry_jumppad:
0x0: {  	(pc) =	sbr.rel $0x88, $3  }
0x1: {  	(tag) =	ssettag $0x0;
	lr =	simm.s32 $0x1  }
0x2: {  	[smem:$0x3F9E] =	sst lr;
	_ =	strace $0xD0000000  }
0x3: {  	_ = 	snop  }
0x4: {  	_ = 	snop  }
0x5: {  	_ = 	snop  }
0x6: {  	_ = 	snop  }
0x7: {  	_ = 	snop  }
__scs_overlays_trampoline_lowered:
0x8: {  	[smem:$0x3FAD] =	sst s0  }
0x9: {  	[smem:$0x3FAE] =	sst s1  }
0xa: {  	[smem:$0x3FAF] =	sst s2  }
0xb: {  	[smem:$0x3FB0] =	sst s3  }
0xc: {  	[smem:$0x3FB1] =	sst s4  }
0xd: {  	[smem:$0x3FB2] =	sst s5  }
0xe: {  	[smem:$0x3FB3] =	sst s6  }
0xf: {  	[smem:$0x3FB4] =	sst s7  }
0x10: {  	[smem:$0x3FB5] =	sst s8  }
0x11: {  	[smem:$0x3FB6] =	sst s9;
	s0 =	simm.s32 @!p0 $0x0  }
0x12: {  	s1 =	sld [smem:$0x3F9C];
	s0 =	simm.s32 @p0 $0x1  }
0x13: {  	[smem:$0x3FB7] =	sst s0;
	s0 =	simm.s32 @!p1 $0x0  }
0x14: {  	s2 =	sld [smem:$0x3F9B];
	s0 =	simm.s32 @p1 $0x1  }
0x15: {  	[smem:$0x3FB8] =	sst s0;
	s0 =	simm.s32 @!p2 $0x0  }
0x16: {  	s3 =	sld [smem:$0x3FDB];
	s0 =	simm.s32 @p2 $0x1  }
0x17: {  	s4 =	simm.s32 $0x1BF5;
	[smem:$0x3FBA] =	sst s0  }
0x18: {  	s0 =	sld [smem:$0x3F9D];
	_ =	swait.ge [sflag:s4], $0x0  }
0x19: {  	s7 =	sld [smem:$0x3F9E]  }
0x1a: {  	s8 =	sadd.s32 $0xFFFFE003, lr  }
0x1b: {  	s9 =	sadd.s32 $0xFFFFFEF7, lr;
	s5 =	simm.s32 $0xFFFFFFFF;
	p2 =	slt.u32 s8, $0xFFFFF086  }
0x1c: {  	p1 =	slt.u32 s9, $0xF7A;
	s5 =	simm.s32 @!p2 $0x0  }
0x1d: {  	s5 =	simm.s32 @p1 $0x1;
	p0 =	seq.s32 s7, s2  }
0x1e: {  	s7 =	smul.u32 @!p0 $0xF7A, s2;
	p2 =	seq.s32 @!p0 s5, $0x0  }
0x1f: {  	s9 =	smul.u32 $0xF7A, s1;
	s8 =	simm.s32 @!p0 $0x1BF5;
	p2 =	por !p2, p0  }
0x20: {  	[sflag:s8] =	ssyncset.s32 @!p0 $0xFFFFF086;
	s6 =	sadd.s32 @!p0 s3, s7;
	s7 =	simm.s32 @!p0 $0x108  }
0x21: {  	s3 =	sadd.s32 s3, s9;
	s6 =	sadd.s32 @!p0 $0x88, s6;
	s7 =	simm.s32 @p2 $0x1082  }
0x22: {  	[simem:s7], [sflag:s8] =	dma.local @!p0 [hbm:s6], $0xF7A  }
0x23: {  	s9 =	sor.u32 $0xD0000000, s2;
	s6 =	simm.s32 $0x108;
	_ =	swait.ge @!p0 [sflag:s8], $0x0  }
0x24: {  	s3 =	sadd.s32 $0x88, s3;
	s6 =	simm.s32 @!p1 $0x1082;
	[sflag:s4] =	ssyncset.s32 $0xFFFFF086  }
0x25: {  	[simem:s6], [sflag:s4] =	dma.local [hbm:s3], $0xF7A  }
0x26: {  	[smem:$0x3F9E] =	sst s1;
	(tag) =	ssettag s2;
	_ =	strace s9  }
0x27: {  	s1 =	sld [smem:$0x3FAE]  }
0x28: {  	s2 =	sld [smem:$0x3FAF]  }
0x29: {  	s4 =	sld [smem:$0x3FB1]  }
0x2a: {  	p0 =	seq.s32 s5, $0x0;
	s5 =	sld [smem:$0x3FB2]  }
0x2b: {  	s6 =	sld [smem:$0x3FB3]  }
0x2c: {  	s7 =	sld [smem:$0x3FB4]  }
0x2d: {  	s3 =	simm.s32 $0x108;
	s8 =	sld [smem:$0x3FB5]  }
0x2e: {  	s3 =	simm.s32 @!p0 $0x1082;
	s9 =	sld [smem:$0x3FB6]  }
0x2f: {  	lr =	sadd.s32 s0, s3;
	s0 =	sld [smem:$0x3FAD]  }
0x30: {  	s3 =	sld [smem:$0x3FB0]  }
0x31: {  	[smem:$0x3FB9] =	sst s10  }
0x32: {  	s10 =	sld [smem:$0x3FB7];
	_ =	sdelay $0x3  }
0x33: {  	p0 =	seq.s32 s10, $0x1;
	s10 =	sld [smem:$0x3FB9];
	_ =	sdelay $0x3  }
0x34: {  	[smem:$0x3FB9] =	sst s10  }
0x35: {  	s10 =	sld [smem:$0x3FB8];
	_ =	sdelay $0x3  }
0x36: {  	p1 =	seq.s32 s10, $0x1;
	s10 =	sld [smem:$0x3FB9];
	_ =	sdelay $0x3  }
0x37: {  	[smem:$0x3FB9] =	sst s10  }
0x38: {  	s10 =	sld [smem:$0x3FBA]  }
0x39: {  	_ = 	snop;
	(pc) =	sbr.ind lr, $3  }
0x3a: {  	_ = 	snop  }
0x3b: {  	_ = 	snop  }
0x3c: {  	p2 =	seq.s32 s10, $0x1;
	s10 =	sld [smem:$0x3FB9]  }
0x3d: {  	_ =	shalt  }
0x3e: {  	_ =	shalt  }
0x3f: {  	_ =	shalt  }
0x40: {  	_ =	shalt  }
0x41: {  	_ =	shalt  }
0x42: {  	_ =	shalt  }
0x43: {  	_ =	shalt  }
0x44: {  	_ =	shalt  }
0x45: {  	_ =	shalt  }
0x46: {  	_ =	shalt  }
0x47: {  	_ =	shalt  }
0x48: {  	_ =	shalt  }
0x49: {  	_ =	shalt  }
0x4a: {  	_ =	shalt  }
0x4b: {  	_ =	shalt  }
0x4c: {  	_ =	shalt  }
0x4d: {  	_ =	shalt  }
0x4e: {  	_ =	shalt  }
0x4f: {  	_ =	shalt  }
0x50: {  	_ =	shalt  }
0x51: {  	_ =	shalt  }
0x52: {  	_ =	shalt  }
0x53: {  	_ =	shalt  }
0x54: {  	_ =	shalt  }
0x55: {  	_ =	shalt  }
0x56: {  	_ =	shalt  }
0x57: {  	_ =	shalt  }
0x58: {  	_ =	shalt  }
0x59: {  	_ =	shalt  }
0x5a: {  	_ =	shalt  }
0x5b: {  	_ =	shalt  }
0x5c: {  	_ =	shalt  }
0x5d: {  	_ =	shalt  }
0x5e: {  	_ =	shalt  }
0x5f: {  	_ =	shalt  }
0x60: {  	_ =	shalt  }
0x61: {  	_ =	shalt  }
0x62: {  	_ =	shalt  }
0x63: {  	_ =	shalt  }
0x64: {  	_ =	shalt  }
0x65: {  	_ =	shalt  }
0x66: {  	_ =	shalt  }
0x67: {  	_ =	shalt  }
0x68: {  	_ =	shalt  }
0x69: {  	_ =	shalt  }
0x6a: {  	_ =	shalt  }
0x6b: {  	_ =	shalt  }
0x6c: {  	_ =	shalt  }
0x6d: {  	_ =	shalt  }
0x6e: {  	_ =	shalt  }
0x6f: {  	_ =	shalt  }
0x70: {  	_ =	shalt  }
0x71: {  	_ =	shalt  }
0x72: {  	_ =	shalt  }
0x73: {  	_ =	shalt  }
0x74: {  	_ =	shalt  }
0x75: {  	_ =	shalt  }
0x76: {  	_ =	shalt  }
0x77: {  	_ =	shalt  }
0x78: {  	_ =	shalt  }
0x79: {  	_ =	shalt  }
0x7a: {  	_ =	shalt  }
0x7b: {  	_ =	shalt  }
0x7c: {  	_ =	shalt  }
0x7d: {  	_ =	shalt  }
0x7e: {  	_ =	shalt  }
0x7f: {  	_ =	shalt  }
0x80: {  	_ =	shalt  }
0x81: {  	_ =	shalt  }
0x82: {  	_ =	shalt  }
0x83: {  	_ =	shalt  }
0x84: {  	_ =	shalt  }
0x85: {  	_ =	shalt  }
0x86: {  	_ =	shalt  }
0x87: {  	_ =	shalt  }
.Lfunc_end0:
.L_simem_size_0:
called_computation_lowered:
.L_overlay_start_0:
0x88: {  	s2 =	sld [smem:$0x3FD9]  }
0x89: {  	s3 =	sld [smem:$0x3FFE];
	_ =	sdelay $0x1  }
0x8a: {  	s1 =	srdreg.scid  }
0x8b: {  	s0 =	sand.u32 $0x1, s1  }
0x8c: {  	s18 =	sshll.u32 s0, $0xA;
	s2 =	sadd.s32 s3, s2  }
0x8d: {  	s2 =	sadd.s32 s2, s18  }
0x8e: {  	[smem:$0x3FC5] =	sst s2  }
0x8f: {  	_ = 	snop  }
0x90: {  	s2 =	sld [smem:$0x3FC9]  }
0x91: {  	s19 =	sld [smem:$0x3FC8]  }
0x92: {  	s4 =	sld [smem:$0x3FC7]  }
0x93: {  	s5 =	sld [smem:$0x3FD0];
	(tm) =	ssettm $0x1  }
0x94: {  	s6 =	sld [smem:$0x3FFB];
	_ =	sdelay $0x3  }
0x95: {  	_ =	strace s6  }
0x96: {  	s6 =	sld [smem:$0x3FFC];
	_ =	sdelay $0x3  }
0x97: {  	_ =	strace s6  }
0x98: {  	s6 =	sld [smem:$0x3FFD];
	_ =	sdelay $0x3  }
0x99: {  	_ =	strace s6  }
0x9a: {  	_ =	strace $0x8FFFFFFF  }
0x9b: {  	s20 =	sld [smem:$0x3FDB];
	_ =	sdelay $0x1  }
0x9c: {  	s7 =	simm.s32 $_scs_section_size  }
0x9d: {  	s8 =	simm.s32 $_size__tile_overlayer_lowered;
	s9 =	simm.s32 $_tile_overlayer_lowered  }
0x9e: {  	s23 =	simm.s32 $0x1BFF;
	s22 =	sshll.u32 s9, $0x1;
	s6 =	sadd.s32 s7, s20  }
0x9f: {  	s10 =	simm.s32 $0x0;
	s21 =	sshll.u32 s8, $0x1;
	s8 =	sadd.s32 s22, s6  }
0xa0: {  	[timem:s10], [sflag:s23] =	dma.local [hbm:s8], s21  }
0xa1: {  	_ =	swait.ge [sflag:s23], s21  }
0xa2: {  	s7 =	ssub.s32 $0x0, s21;
	[sflag:s23] =	ssyncset.done $0x0  }
0xa3: {  	[sflag:s23] =	ssyncadd.s32 s7;
	_ =	sdelay $0x1  }
0xa4: {  	s24 =	simm.s32 $0x1B8B  }
0xa5: {  	_ =	swait.ge [sflag:s24], $0x1  }
0xa6: {  	[sflag:s24] =	ssyncset.done $0x0  }
0xa7: {  	s25 =	simm.s32 $0x1B8E;
	[sflag:s24] =	ssyncadd.s32 $0xFFFFFFFF  }
0xa8: {  	s26 =	simm.s32 $execute0_lowered;
	[smem:$0x3FD2] =	sst s25  }
0xa9: {  	s7 =	sshll.u32 s26, $0x1;
	_ =	strace $0x80000046;
	[dreg:$0x1] =	wrdreg $0xFFFFFFFF  }
0xaa: {  	s28 =	simm.s32 $_size_execute0_lowered;
	s6 =	sadd.s32 s6, s7;
	[dreg:$0x0] =	wrdreg $0x0  }
0xab: {  	s7 =	sshll.u32 s28, $0x1;
	[dreg:$0x2] =	wrdreg s6  }
0xac: {  	[dreg:$0x3] =	wrdreg s7  }
0xad: {  	[dreg:$0x4] =	wrdreg $0xC0  }
0xae: {  	_ =	task [dreg:s10], $0x5FFFF  }
0xaf: {  	[dreg:$0x1] =	wrdreg $0xFFFFFFFF  }
0xb0: {  	[dreg:$0x0] =	wrdreg $0x60  }
0xb1: {  	[dreg:$0x2] =	wrdreg s2  }
0xb2: {  	[dreg:$0x3] =	wrdreg s19  }
0xb3: {  	[dreg:$0x4] =	wrdreg s4  }
0xb4: {  	[dreg:$0x5] =	wrdreg s5  }
0xb5: {  	[dreg:$0x6] =	wrdreg $0x54000  }
0xb6: {  	[dreg:$0x7] =	wrdreg $0x9  }
0xb7: {  	_ =	task.clear_ibuf [dreg:s10], $0x8FFFF;
	_ =	strace $0x90000046  }
0xb8: {  	s29 =	simm.s32 $0x9;
	_ =	strace $0x80000048  }
0xb9: {  	_ =	swait.ge [sflag:s29], $0x1  }
0xba: {  	[sflag:s29] =	ssyncadd.s32 $0xFFFFFFFF  }
0xbb: {  	_ =	strace $0x90000048  }
0xbc: {  	_ =	sfence  }
0xbd: {  	s30 =	sld [smem:$0x0];
	_ =	sdelay $0x2  }
0xbe: {  	s31 =	sshll.u32 s1, $0xD;
	s1 =	sshrl.u32 s1, $0x2  }
0xbf: {  	s3 =	sand.u32 $0x4000, s31;
	s1 =	sadd.s32 s1, s30  }
0xc0: {  	s0 =	sor.u32 s3, s0;
	s1 =	sshll.u32 s1, $0x11  }
0xc1: {  	s0 =	sor.u32 s1, s0  }
0xc2: {  	s0 =	sadd.s32 $0x8F2B, s0  }
0xc3: {  	[sflag:s0] =	ssyncadd.remote.s32 $0x1  }
0xc4: {  	_ =	sfence.sel $0xFFFF  }
0xc5: {  	[dreg:$0x0] =	wrdreg $0xFFFFFFFF;
	(pc) =	sbr.abs _section_cstart, $3  }
0xc6: {  	[dreg:$0x1] =	wrdreg $0xFFFFFFFF  }
0xc7: {  	_ =	task.clear_ibuf [dreg:s10], $0x2FFFF;
	_ =	strace $0x9FFFFFFF  }
0xc8: {  	(tm) =	ssettm $0x7FFFFFFF  }
0xc9: {  	_ =	shalt  }
tec
execute0_lowered:
.L_overlay_start_1:
0x0: {  	(tag) =	ssettag $0x1  }
0x1: {  	s0 =	rddreg [dreg:$0x0]  }
0x2: {  	s7 =	rddreg [dreg:$0x1]  }
0x3: {  	s5 =	rddreg [dreg:$0x2]  }
0x4: {  	s8 =	rddreg [dreg:$0x3];
	s2 =	srdreg.scid  }
0x5: {  	s1 =	stileid.u32;
	s3 =	rddreg [dreg:$0x4]  }
0x6: {  	s4 =	simm.s32 $0x0;
	s13 =	simm.s32 $0x80;
	s6 =	sand.u32 $0x1, s2  }
0x7: {  	s9 =	sshll.u32 s1, $0x1;
	s2 =	rddreg [dreg:$0x5];
	s12 =	smul.u32 $0x4F000, s1  }
0x8: {  	[smem:$0x7FF] =	sst s4;
	s14 =	smul.u32 $0x2780, s1;
	s31 =	sshll.u32 s1, $0x6  }
0x9: {  	s9 =	sor.u32 s6, s9;
	s10 =	ssub.s32 $0x2, s6;
	s30 =	smul.u32 $0x27800, s6  }
0xa: {  	_ =	strace $0x80000047;
	p0 =	seq.s32 s6, $0x1;
	s9 =	smul.u32 $0x2800, s9  }
0xb: {  	s11 =	sshrl.u32 s10, $0x1;
	s29 =	sshrl.u32 s12, $0x2;
	s12 =	smov.u32 s0  }
0xc: {  	s10 =	ssub.s32 s10, s11;
	s11 =	sadd.s32 s29, s3;
	s15 =	sadd.s32 s8, s30  }
0xd: {  	s12 =	smov.u32 @p0 s7;
	s9 =	sshrl.u32 s9, $0x3;
	s7 =	smax.u32 s10, $0x1  }
0xe: {  	s8 =	sadd.s32 s12, s14;
	s10 =	sshrl.u32 s11, $0x3;
	s11 =	simm.s32 $0x1  }
0xf: {  	s12 =	simm.s32 $0x1400;
	s14 =	sadd.s32 s14, s15;
	s5 =	sadd.s32 s5, s9  }
0x10: {  	s15 =	simm.s32 $0x0;
	s9 =	sor.u32 $0x1C01, s31;
	s6 =	sadd.s32 $0x280, s5  }
.LBB2_1:
0x11: {  	[spmem:s10], [sflag:s9] =	dma.local [hbm:s8], $0x2780  }
0x12: {  	_ =	swait.ge [sflag:s11], $0x2780  }
0x13: {  	[sflag:s11] =	ssyncset.done $0x0  }
0x14: {  	[sflag:s11] =	ssyncadd.s32 $0xFFFFD880  }
0x15: {  	[tilespmem:s12], [sflag:$0x1] =	stream.linear.gather [hbm4b:s0+s4], $0x4000, $0x38;
	[tilespmem:$0x19000] =	vst v63  }
0x16: {  	_ =	swait.ge [sflag:s11], $0x4000  }
0x17: {  	[sflag:s11] =	ssyncset.done $0x0  }
0x18: {  	[sflag:s11] =	ssyncadd.s32 $0xFFFFC000  }
0x19: {  	[bflag:$0x0] =	sbarrier.arrive $0xFFFF  }
0x1a: {  	[tilespmem:s4], [sflag:$0x1] =	stream.linear.gather [hbm4b:s5+s4], $0x1400, $0x38;
	[tilespmem:$0x19000] =	vst v63  }
0x1b: {  	_ =	swait.ge [sflag:s11], $0x1400  }
0x1c: {  	[sflag:s11] =	ssyncset.done $0x0  }
0x1d: {  	s16 =	simm.s32 $0x0;
	[sflag:s11] =	ssyncadd.s32 $0xFFFFEC00  }
0x1e: {  	[spmem:s3] =	stream.indirect.scatter.add.f32 [tilespmem:s12], [sflag:$0x1], $0x80, s16, s13, $0xb8;
	[tilespmem:$0x19000] =	vst v63  }
0x1f: {  	_ =	swait.ge [sflag:s11], $0x4000  }
0x20: {  	s16 =	simm.s32 $0x200;
	[sflag:s11] =	ssyncset.done $0x0  }
.LBB2_2:
0x21: {  	s17 =	sshra.s32 s16, $0x2;
	[sflag:s11] =	ssyncadd.s32 $0xFFFFC000;
	p0 =	sne.s32 s16, $0x4E00  }
0x22: {  	[spmem:s3] =	stream.indirect.scatter.add.f32 [tilespmem:s12], [sflag:$0x1], $0x80, s17, s13, $0xb8;
	[tilespmem:$0x19000] =	vst v63  }
.Ltmp0:
0x23: {  	_ = 	snop;
	(pc) =	sbr.rel @p0 .LBB2_2-.Ltmp0, $4  }
0x24: {  	_ = 	snop  }
0x25: {  	s16 =	sadd.s32 $0x200, s16  }
0x26: {  	_ =	swait.ge [sflag:s11], $0x4000  }
0x27: {  	[sflag:s11] =	ssyncset.done $0x0  }
0x28: {  	[sflag:s11] =	ssyncadd.s32 $0xFFFFC000;
	s16 =	simm.s32 $0x0  }
0x29: {  	[tilespmem:s16], [sflag:$0x1] =	stream.linear.gather [hbm4b:s6+s16], $0x1400, $0x38;
	[tilespmem:$0x19000] =	vst v63  }
0x2a: {  	_ =	swait.ge [sflag:s11], $0x1400  }
0x2b: {  	[sflag:s11] =	ssyncset.done $0x0  }
0x2c: {  	s31 =	simm.s32 $0x0;
	[sflag:s11] =	ssyncadd.s32 $0xFFFFEC00  }
0x2d: {  	[spmem:s3] =	stream.indirect.scatter.add.f32 [tilespmem:s12], [sflag:$0x1], $0x80, s31, s13, $0xb8;
	[tilespmem:$0x19000] =	vst v63  }
0x2e: {  	_ =	swait.ge [sflag:s11], $0x4000  }
0x2f: {  	s16 =	simm.s32 $0x200;
	[sflag:s11] =	ssyncset.done $0x0  }
.LBB2_4:
0x30: {  	s17 =	sshra.s32 s16, $0x2;
	[sflag:s11] =	ssyncadd.s32 $0xFFFFC000;
	p0 =	sne.s32 s16, $0x4E00  }
0x31: {  	[spmem:s3] =	stream.indirect.scatter.add.f32 [tilespmem:s12], [sflag:$0x1], $0x80, s17, s13, $0xb8;
	[tilespmem:$0x19000] =	vst v63  }
.Ltmp1:
0x32: {  	_ = 	snop;
	(pc) =	sbr.rel @p0 .LBB2_4-.Ltmp1, $4  }
0x33: {  	_ = 	snop  }
0x34: {  	s16 =	sadd.s32 $0x200, s16  }
0x35: {  	_ =	swait.ge [sflag:s11], $0x4000  }
0x36: {  	[sflag:s11] =	ssyncset.done $0x0  }
0x37: {  	s15 =	sadd.s32 $0x1, s15  }
0x38: {  	[sflag:s11] =	ssyncadd.s32 $0xFFFFC000;
	p0 =	sne.s32 s15, s7  }
.Ltmp2:
0x39: {  	[bflag:$0x0] =	sbarrier.arrive $0xFFFF;
	(pc) =	sbr.rel @p0 .LBB2_1-.Ltmp2, $4  }
0x3a: {  	[hbm:s14], [sflag:s9] =	dma.local [spmem:s10], $0x2780  }
0x3b: {  	_ =	swait.ge [sflag:s11], $0x2780  }
0x3c: {  	[sflag:s11] =	ssyncset.done $0x0  }
0x3d: {  	[sflag:s11] =	ssyncadd.s32 $0xFFFFD880  }
0x3e: {  	_ =	sfence.sel $0x180000  }
0x3f: {  	[bflag:$0x0] =	sbarrier.arrive $0xFFFF  }
0x40: {  	p0 =	sne.s32 s1, $0x0;
	_ =	strace $0x90000047  }
0x41: {  	s0 =	sadd.s32 @!p0 $0x100000, s2;
	[bflag:$0x2] =	sbarrier.arrive $0xFFFF  }
0x42: {  	[sflag:s0] =	ssyncadd.tile.s32 @!p0 $0x1;
	_ =	shalt  }
.Lfunc_end2:
_tile_overlayer_lowered:
.L_overlay_start_2:
0x43: {  	(tag) =	ssettag $0x2  }
0x44: {  	s0 =	rddreg [dreg:$0x0];
	s2 =	stileid.u32  }
0x45: {  	s1 =	rddreg [dreg:$0x1];
	p0 =	sne.s32 s2, $0x0  }
0x46: {  	s3 =	rddreg [dreg:$0x2];
	[bflag:$0x3] =	sbarrier.arrive $0xFFFF;
	s2 =	simm.s32 @!p0 $0x1C01  }
0x47: {  	[timem:s3], [sflag:s2] =	dma.local @!p0 [hbm:s0], s1  }
0x48: {  	s0 =	simm.s32 @!p0 $0x1  }
0x49: {  	_ =	swait.ge @!p0 [sflag:s0], s1  }
0x4a: {  	s1 =	ssub.s32 @!p0 $0x0, s1;
	[sflag:s0] =	ssyncset.done @!p0 $0x0  }
0x4b: {  	[sflag:s0] =	ssyncadd.s32 @!p0 s1  }
0x4c: {  	[bflag:$0x3] =	sbarrier.arrive $0xFFFF  }
0x4d: {  	_ =	shalt  }

</sc_bundles>
